<compile_context>
chip_gen: v7x
topology: tpu7x:2x2x1
jax: 0.10.2.dev20260603
libtpu: 0.0.44.dev20260713+nightly
codegen_flags: <defaults>
</compile_context>

<pallas_src>
import functools

import jax
import jax.numpy as jnp
from jax import lax
from jax.experimental import pallas as pl
from jax.experimental.pallas import tpu as pltpu
from jax.experimental.pallas import tpu_sc as plsc

RES = 128
DENSITY_THRESHOLD = 0.01
N_POINTS = 2097152
N_WORDS = RES ** 3 // 32

N_WORKERS = 32
PTS_PER_WORKER = N_POINTS // N_WORKERS
CHUNK = 8192
N_CHUNKS = PTS_PER_WORKER // CHUNK

_ROWS = N_POINTS // 128


def _pack_body(g_ref, o_ref):
    i = pl.program_id(0)
    m = (g_ref[...] > DENSITY_THRESHOLD).astype(jnp.int32)
    m4 = m.reshape(8, 4, RES, RES)
    sh = lax.broadcasted_iota(jnp.int32, m4.shape, 0) + 8 * i
    part = jnp.sum(m4 << sh, axis=0)

    @pl.when(i == 0)
    def _init():
        o_ref[...] = part

    @pl.when(i > 0)
    def _acc():
        o_ref[...] |= part


_pack = pl.pallas_call(
    _pack_body,
    out_shape=jax.ShapeDtypeStruct((4, RES, RES), jnp.int32),
    grid=(4,),
    in_specs=[pl.BlockSpec((32, RES, RES), lambda i: (i, 0, 0))],
    out_specs=pl.BlockSpec((4, RES, RES), lambda i: (0, 0, 0)),
)


def _encode_body(x_ref, y_ref, z_ref, o_ref):
    x, y, z = x_ref[...], y_ref[...], z_ref[...]
    tx = (x + 1.0) * 64.0 - 0.5
    ty = (y + 1.0) * 64.0 - 0.5
    tz = (z + 1.0) * 64.0 - 0.5
    lo = jnp.minimum(jnp.minimum(x, y), z)
    hi = jnp.maximum(jnp.maximum(x, y), z)
    inb = (lo >= -1.0) & (hi <= 1.0)
    qx = jnp.clip(jnp.round(tx), 0.0, 127.0).astype(jnp.int32)
    qy = jnp.clip(jnp.round(ty), 0.0, 127.0).astype(jnp.int32)
    qz = jnp.clip(jnp.round(tz), 0.0, 127.0).astype(jnp.int32)
    f = ((qz << 7) | qy) << 7 | qx
    o_ref[...] = jnp.where(inb, f, f | jnp.int32(-2 ** 31))


_ENC_BK = 2048
_encode = pl.pallas_call(
    _encode_body,
    out_shape=jax.ShapeDtypeStruct((_ROWS, 128), jnp.int32),
    grid=(_ROWS // _ENC_BK,),
    in_specs=[pl.BlockSpec((_ENC_BK, 128), lambda i: (i, 0))] * 3,
    out_specs=pl.BlockSpec((_ENC_BK, 128), lambda i: (i, 0)),
)


@functools.partial(
    pl.kernel,
    mesh=plsc.VectorSubcoreMesh(core_axis_name="c", subcore_axis_name="s"),
    out_type=jax.ShapeDtypeStruct((N_POINTS,), jnp.int32),
    compiler_params=pltpu.CompilerParams(needs_layout_passes=False),
    scratch_types=[
        pltpu.VMEM((N_WORDS,), jnp.int32),
        pltpu.VMEM((2, CHUNK), jnp.int32),
        pltpu.VMEM((2, CHUNK), jnp.int32),
        pltpu.SemaphoreType.DMA((2,)),
        pltpu.SemaphoreType.DMA((2,)),
    ],
)
def _sc_filter(enc_hbm, bits_hbm, out_hbm, bits_v, e_v, out_v, in_sem, out_sem):
    wid = lax.axis_index("s") * 2 + lax.axis_index("c")
    base = wid * PTS_PER_WORKER

    def in_copy(ci, b):
        start = base + ci * CHUNK
        return pltpu.make_async_copy(enc_hbm.at[pl.ds(start, CHUNK)], e_v.at[b],
                                     in_sem.at[b])

    def out_copy(ci, b):
        start = base + ci * CHUNK
        return pltpu.make_async_copy(out_v.at[b], out_hbm.at[pl.ds(start, CHUNK)],
                                     out_sem.at[b])

    in_copy(0, 0).start()
    pltpu.sync_copy(bits_hbm, bits_v)

    def chunk_body(ci, carry):
        b = lax.rem(ci, 2)

        @pl.when(ci + 1 < N_CHUNKS)
        def _prefetch():
            in_copy(ci + 1, 1 - b).start()

        in_copy(ci, b).wait()

        @pl.when(ci >= 2)
        def _drain_out():
            out_copy(ci, b).wait()

        @plsc.parallel_loop(0, CHUNK, 16, unroll=16)
        def grp(o):
            e = e_v[b, pl.ds(o, 16)]
            w = e & (N_WORDS - 1)
            bsh = lax.shift_right_logical(e, 16) & 31
            wv = plsc.load_gather(bits_v, [w])
            ok = jnp.bitwise_not(lax.shift_right_arithmetic(e, 31))
            out_v[b, pl.ds(o, 16)] = lax.shift_right_logical(wv, bsh) & 1 & ok

        out_copy(ci, b).start()
        return carry

    lax.fori_loop(0, N_CHUNKS, chunk_body, None)
    out_copy(N_CHUNKS - 2, 0).wait()
    out_copy(N_CHUNKS - 1, 1).wait()


def kernel(xyz_ndc, grid):
    bits = _pack(grid).reshape(N_WORDS)
    enc = _encode(xyz_ndc[:, 0].reshape(_ROWS, 128),
                  xyz_ndc[:, 1].reshape(_ROWS, 128),
                  xyz_ndc[:, 2].reshape(_ROWS, 128))
    out = _sc_filter(enc.reshape(N_POINTS), bits)
    return out != 0

# --- scband reference (transcript-rebuilt; emitter-appended) ---
"""Pipeline reference for scband-occupancy-grid-filter-10780367913347 (READ-ONLY COPY).

The authoritative reference and input builder live on the scoring server;
editing this copy changes nothing except your own understanding.
"""

import jax, jax.numpy as jnp
import numpy as np

RES = 128
DENSITY_INITIAL = 0.02
DENSITY_THRESHOLD = 0.01
N_POINTS = 2097152

def setup_inputs(seed: int = 0) -> dict:
    key = jax.random.key(seed)
    k1, k2 = jax.random.split(key)
    # points in NDC, slightly over-ranged so some fail the bounds test
    xyz_ndc = jax.random.uniform(k1, (N_POINTS, 3), dtype=jnp.float32, minval=-1.1, maxval=1.1)
    # occupancy grid buffer; original inits to a constant density_initial, we add
    # small random variation around it so the threshold test is non-trivial
    grid = DENSITY_INITIAL + 0.05 * (jax.random.uniform(k2, (RES, RES, RES), dtype=jnp.float32) - 0.5)
    return {"xyz_ndc": xyz_ndc, "grid": grid}

def reference(xyz_ndc, grid):
    # BoundsFilter.test
    bounds_mask = jnp.all((xyz_ndc >= -1.0) & (xyz_ndc <= 1.0), axis=-1)
    # voxel index computation
    ijk = (xyz_ndc + 1.0) * RES * 0.5 - 0.5
    ijk = jnp.clip(jnp.round(ijk), 0, RES - 1).astype(jnp.int32)
    # gather densities from grid (note z,y,x ordering as in the torch code)
    d = grid[ijk[..., 2], ijk[..., 1], ijk[..., 0]]
    d_mask = d > DENSITY_THRESHOLD
    # stochastic_test=False, so no bernoulli branch
    return bounds_mask & d_mask

if __name__ == "__main__":
    import jax
    _d = setup_inputs()
    print(jax.jit(kernel)(*tuple(_d.values())))

</pallas_src>

<mosaic_0001>
#map = affine_map<(d0, d1) -> (0)>
module attributes {stable_mosaic.version = 14 : i64} {
  func.func @_sc_filter(%arg0: i32, %arg1: i32, %arg2: memref<2097152xi32, #tpu.memory_space<hbm>>, %arg3: memref<65536xi32, #tpu.memory_space<hbm>>, %arg4: memref<2097152xi32, #tpu.memory_space<hbm>>, %arg5: memref<65536xi32, #tpu.memory_space<vmem>>, %arg6: memref<2x8192xi32, #tpu.memory_space<vmem>>, %arg7: memref<2x8192xi32, #tpu.memory_space<vmem>>, %arg8: memref<2x!tpu.dma_semaphore, #tpu.memory_space<semaphore_mem>>, %arg9: memref<2x!tpu.dma_semaphore, #tpu.memory_space<semaphore_mem>>) attributes {dimension_semantics = [#tpu.dimension_semantics<core_parallel>, #tpu.dimension_semantics<subcore_parallel>], iteration_bounds = array<i64: 2, 16>, scalar_prefetch = 0 : i64, scratch_operands = 5 : i64, tpu.core_type = #tpu.core_type<sc_vector_subcore>, window_params = [{transform_indices = #map}, {transform_indices = #map}, {transform_indices = #map}]} {
    %mul3A = arith.constant 2 : i32
    %mul3A_0 = arith.muli %arg1, %mul3A : i32
    %add3A = arith.addi %mul3A_0, %arg0 : i32
    %mul3A_1 = arith.constant 65536 : i32
    %mul3A_2 = arith.muli %add3A, %mul3A_1 : i32
    %add3A_3 = arith.constant 0 : i32
    %add3A_4 = arith.addi %mul3A_2, %add3A_3 : i32
    %dma_start3A = arith.constant 0 : i32
    %dma_start3A_5 = arith.constant 0 : i32
    %dma_start3A_6 = arith.constant 0 : i32
    %dma_start3A_7 = tpu.memref_slice %arg6[%dma_start3A, %dma_start3A_6] : memref<2x8192xi32, #tpu.memory_space<vmem>> -> memref<1x8192xi32, #tpu.memory_space<vmem>>
    %dma_start3A_8 = tpu.memref_squeeze %dma_start3A_7 : memref<1x8192xi32, #tpu.memory_space<vmem>> -> memref<8192xi32, #tpu.memory_space<vmem>>
    %dma_start3A_9 = tpu.memref_slice %arg2[%add3A_4] : memref<2097152xi32, #tpu.memory_space<hbm>> -> memref<8192xi32, #tpu.memory_space<hbm>>
    %dma_start3A_10 = tpu.memref_slice %arg8[%dma_start3A_5] : memref<2x!tpu.dma_semaphore, #tpu.memory_space<semaphore_mem>> -> memref<1x!tpu.dma_semaphore, #tpu.memory_space<semaphore_mem>>
    %dma_start3A_11 = tpu.memref_squeeze %dma_start3A_10 : memref<1x!tpu.dma_semaphore, #tpu.memory_space<semaphore_mem>> -> memref<!tpu.dma_semaphore, #tpu.memory_space<semaphore_mem>>
    %dma_start3A_12 = arith.constant 0 : i32
    %dma_start3A_13 = tpu.memref_slice %arg6[%dma_start3A, %dma_start3A_12] : memref<2x8192xi32, #tpu.memory_space<vmem>> -> memref<1x8192xi32, #tpu.memory_space<vmem>>
    %dma_start3A_14 = tpu.memref_squeeze %dma_start3A_13 : memref<1x8192xi32, #tpu.memory_space<vmem>> -> memref<8192xi32, #tpu.memory_space<vmem>>
    %dma_start3A_15 = tpu.memref_slice %arg2[%add3A_4] : memref<2097152xi32, #tpu.memory_space<hbm>> -> memref<8192xi32, #tpu.memory_space<hbm>>
    tpu.enqueue_dma source(%dma_start3A_15 : memref<8192xi32, #tpu.memory_space<hbm>>) target(%dma_start3A_14 : memref<8192xi32, #tpu.memory_space<vmem>>) target_semaphore(%dma_start3A_11 : memref<!tpu.dma_semaphore, #tpu.memory_space<semaphore_mem>>)
    "tpu.region"() ({
      %run_scoped3A = tpu.sem_alloc : memref<!tpu.dma_semaphore, #tpu.memory_space<semaphore_mem>>
      tpu.enqueue_dma source(%arg3 : memref<65536xi32, #tpu.memory_space<hbm>>) target(%arg5 : memref<65536xi32, #tpu.memory_space<vmem>>) target_semaphore(%run_scoped3A : memref<!tpu.dma_semaphore, #tpu.memory_space<semaphore_mem>>)
      tpu.wait_dma2 semaphore(%run_scoped3A : memref<!tpu.dma_semaphore, #tpu.memory_space<semaphore_mem>>) src(%arg3 : memref<65536xi32, #tpu.memory_space<hbm>>) dst(%arg5 : memref<65536xi32, #tpu.memory_space<vmem>>)
      tpu.yield
    }) : () -> ()
    %scan3A = arith.constant 0 : i32
    %scan3A_16 = arith.constant 8 : i32
    %scan3A_17 = arith.addi %scan3A, %scan3A_16 : i32
    %scan3A_18 = arith.constant 1 : i32
    scf.for %scan3A_47 = %scan3A to %scan3A_17 step %scan3A_18  : i32 {
      %rem3A = arith.constant 2 : i32
      %rem3A_48 = arith.remsi %scan3A_47, %rem3A : i32
      %add3A_49 = arith.constant 1 : i32
      %add3A_50 = arith.addi %scan3A_47, %add3A_49 : i32
      %lt3A = arith.constant 8 : i32
      %lt3A_51 = arith.cmpi slt, %add3A_50, %lt3A : i32
      %convert_element_type3A = arith.extui %lt3A_51 : i1 to i32
      %cond3A = arith.constant 0 : i32
      %cond3A_52 = arith.cmpi ne, %convert_element_type3A, %cond3A : i32
      scf.if %cond3A_52 {
        %add3A_85 = arith.constant 1 : i32
        %add3A_86 = arith.addi %scan3A_47, %add3A_85 : i32
        %sub3A = arith.constant 1 : i32
        %sub3A_87 = arith.subi %sub3A, %rem3A_48 : i32
        %mul3A_88 = arith.constant 8192 : i32
        %mul3A_89 = arith.muli %add3A_86, %mul3A_88 : i32
        %add3A_90 = arith.addi %mul3A_2, %mul3A_89 : i32
        %dma_start3A_91 = arith.constant 0 : i32
        %dma_start3A_92 = tpu.memref_slice %arg6[%sub3A_87, %dma_start3A_91] : memref<2x8192xi32, #tpu.memory_space<vmem>> -> memref<1x8192xi32, #tpu.memory_space<vmem>>
        %dma_start3A_93 = tpu.memref_squeeze %dma_start3A_92 : memref<1x8192xi32, #tpu.memory_space<vmem>> -> memref<8192xi32, #tpu.memory_space<vmem>>
        %dma_start3A_94 = tpu.memref_slice %arg2[%add3A_90] : memref<2097152xi32, #tpu.memory_space<hbm>> -> memref<8192xi32, #tpu.memory_space<hbm>>
        %dma_start3A_95 = tpu.memref_slice %arg8[%sub3A_87] : memref<2x!tpu.dma_semaphore, #tpu.memory_space<semaphore_mem>> -> memref<1x!tpu.dma_semaphore, #tpu.memory_space<semaphore_mem>>
        %dma_start3A_96 = tpu.memref_squeeze %dma_start3A_95 : memref<1x!tpu.dma_semaphore, #tpu.memory_space<semaphore_mem>> -> memref<!tpu.dma_semaphore, #tpu.memory_space<semaphore_mem>>
        %dma_start3A_97 = arith.constant 0 : i32
        %dma_start3A_98 = tpu.memref_slice %arg6[%sub3A_87, %dma_start3A_97] : memref<2x8192xi32, #tpu.memory_space<vmem>> -> memref<1x8192xi32, #tpu.memory_space<vmem>>
        %dma_start3A_99 = tpu.memref_squeeze %dma_start3A_98 : memref<1x8192xi32, #tpu.memory_space<vmem>> -> memref<8192xi32, #tpu.memory_space<vmem>>
        %dma_start3A_100 = tpu.memref_slice %arg2[%add3A_90] : memref<2097152xi32, #tpu.memory_space<hbm>> -> memref<8192xi32, #tpu.memory_space<hbm>>
        tpu.enqueue_dma source(%dma_start3A_100 : memref<8192xi32, #tpu.memory_space<hbm>>) target(%dma_start3A_99 : memref<8192xi32, #tpu.memory_space<vmem>>) target_semaphore(%dma_start3A_96 : memref<!tpu.dma_semaphore, #tpu.memory_space<semaphore_mem>>)
      } else {
      }
      %mul3A_53 = arith.constant 8192 : i32
      %mul3A_54 = arith.muli %scan3A_47, %mul3A_53 : i32
      %add3A_55 = arith.addi %mul3A_2, %mul3A_54 : i32
      %dma_wait3A_56 = arith.constant 0 : i32
      %dma_wait3A_57 = tpu.memref_slice %arg6[%rem3A_48, %dma_wait3A_56] : memref<2x8192xi32, #tpu.memory_space<vmem>> -> memref<1x8192xi32, #tpu.memory_space<vmem>>
      %dma_wait3A_58 = tpu.memref_squeeze %dma_wait3A_57 : memref<1x8192xi32, #tpu.memory_space<vmem>> -> memref<8192xi32, #tpu.memory_space<vmem>>
      %dma_wait3A_59 = tpu.memref_slice %arg2[%add3A_55] : memref<2097152xi32, #tpu.memory_space<hbm>> -> memref<8192xi32, #tpu.memory_space<hbm>>
      %dma_wait3A_60 = tpu.memref_slice %arg8[%rem3A_48] : memref<2x!tpu.dma_semaphore, #tpu.memory_space<semaphore_mem>> -> memref<1x!tpu.dma_semaphore, #tpu.memory_space<semaphore_mem>>
      %dma_wait3A_61 = tpu.memref_squeeze %dma_wait3A_60 : memref<1x!tpu.dma_semaphore, #tpu.memory_space<semaphore_mem>> -> memref<!tpu.dma_semaphore, #tpu.memory_space<semaphore_mem>>
      %dma_wait3A_62 = arith.constant 0 : i32
      %dma_wait3A_63 = tpu.memref_slice %arg6[%rem3A_48, %dma_wait3A_62] : memref<2x8192xi32, #tpu.memory_space<vmem>> -> memref<1x8192xi32, #tpu.memory_space<vmem>>
      %dma_wait3A_64 = tpu.memref_squeeze %dma_wait3A_63 : memref<1x8192xi32, #tpu.memory_space<vmem>> -> memref<8192xi32, #tpu.memory_space<vmem>>
      %dma_wait3A_65 = tpu.memref_slice %arg2[%add3A_55] : memref<2097152xi32, #tpu.memory_space<hbm>> -> memref<8192xi32, #tpu.memory_space<hbm>>
      tpu.wait_dma2 semaphore(%dma_wait3A_61 : memref<!tpu.dma_semaphore, #tpu.memory_space<semaphore_mem>>) src(%dma_wait3A_65 : memref<8192xi32, #tpu.memory_space<hbm>>) dst(%dma_wait3A_64 : memref<8192xi32, #tpu.memory_space<vmem>>)
      %ge3A = arith.constant 2 : i32
      %ge3A_66 = arith.cmpi sge, %scan3A_47, %ge3A : i32
      %convert_element_type3A_67 = arith.extui %ge3A_66 : i1 to i32
      %cond3A_68 = arith.constant 0 : i32
      %cond3A_69 = arith.cmpi ne, %convert_element_type3A_67, %cond3A_68 : i32
      scf.if %cond3A_69 {
        %mul3A_85 = arith.constant 8192 : i32
        %mul3A_86 = arith.muli %scan3A_47, %mul3A_85 : i32
        %add3A_87 = arith.addi %mul3A_2, %mul3A_86 : i32
        %dma_wait3A_88 = arith.constant 0 : i32
        %dma_wait3A_89 = tpu.memref_slice %arg7[%rem3A_48, %dma_wait3A_88] : memref<2x8192xi32, #tpu.memory_space<vmem>> -> memref<1x8192xi32, #tpu.memory_space<vmem>>
        %dma_wait3A_90 = tpu.memref_squeeze %dma_wait3A_89 : memref<1x8192xi32, #tpu.memory_space<vmem>> -> memref<8192xi32, #tpu.memory_space<vmem>>
        %dma_wait3A_91 = tpu.memref_slice %arg4[%add3A_87] : memref<2097152xi32, #tpu.memory_space<hbm>> -> memref<8192xi32, #tpu.memory_space<hbm>>
        %dma_wait3A_92 = tpu.memref_slice %arg9[%rem3A_48] : memref<2x!tpu.dma_semaphore, #tpu.memory_space<semaphore_mem>> -> memref<1x!tpu.dma_semaphore, #tpu.memory_space<semaphore_mem>>
        %dma_wait3A_93 = tpu.memref_squeeze %dma_wait3A_92 : memref<1x!tpu.dma_semaphore, #tpu.memory_space<semaphore_mem>> -> memref<!tpu.dma_semaphore, #tpu.memory_space<semaphore_mem>>
        %dma_wait3A_94 = tpu.memref_slice %arg4[%add3A_87] : memref<2097152xi32, #tpu.memory_space<hbm>> -> memref<8192xi32, #tpu.memory_space<hbm>>
        %dma_wait3A_95 = arith.constant 0 : i32
        %dma_wait3A_96 = tpu.memref_slice %arg7[%rem3A_48, %dma_wait3A_95] : memref<2x8192xi32, #tpu.memory_space<vmem>> -> memref<1x8192xi32, #tpu.memory_space<vmem>>
        %dma_wait3A_97 = tpu.memref_squeeze %dma_wait3A_96 : memref<1x8192xi32, #tpu.memory_space<vmem>> -> memref<8192xi32, #tpu.memory_space<vmem>>
        tpu.wait_dma2 semaphore(%dma_wait3A_93 : memref<!tpu.dma_semaphore, #tpu.memory_space<semaphore_mem>>) src(%dma_wait3A_97 : memref<8192xi32, #tpu.memory_space<vmem>>) dst(%dma_wait3A_94 : memref<8192xi32, #tpu.memory_space<hbm>>)
      } else {
      }
      %parallel_loop3A = arith.constant 0 : i32
      %parallel_loop3A_70 = arith.constant 8192 : i32
      %parallel_loop3A_71 = arith.constant 16 : i32
      scf.for %parallel_loop3A_85 = %parallel_loop3A to %parallel_loop3A_70 step %parallel_loop3A_71  : i32 {
        %parallel_loop3A_86 = arith.index_cast %rem3A_48 : i32 to index
        %parallel_loop3A_87 = arith.index_cast %parallel_loop3A_85 : i32 to index
        %parallel_loop3A_88 = tpu.vector_load %arg6[%parallel_loop3A_86, %parallel_loop3A_87] {strides = array<i32>} : memref<2x8192xi32, #tpu.memory_space<vmem>>, vector<16xi32>,
        %parallel_loop3A_89 = arith.constant 65535 : i32
        %parallel_loop3A_90 = vector.broadcast %parallel_loop3A_89 : i32 to vector<16xi32>
        %parallel_loop3A_91 = arith.andi %parallel_loop3A_88, %parallel_loop3A_90 : vector<16xi32>
        %parallel_loop3A_92 = arith.constant 16 : i32
        %parallel_loop3A_93 = vector.broadcast %parallel_loop3A_92 : i32 to vector<16xi32>
        %parallel_loop3A_94 = arith.shrui %parallel_loop3A_88, %parallel_loop3A_93 : vector<16xi32>
        %parallel_loop3A_95 = arith.constant 31 : i32
        %parallel_loop3A_96 = vector.broadcast %parallel_loop3A_95 : i32 to vector<16xi32>
        %parallel_loop3A_97 = arith.andi %parallel_loop3A_94, %parallel_loop3A_96 : vector<16xi32>
        %parallel_loop3A_98 = tpu.vector_load_idx %arg5[%parallel_loop3A_91] : memref<65536xi32, #tpu.memory_space<vmem>>[vector<16xi32>], vector<16xi32>,
        %parallel_loop3A_99 = arith.constant 31 : i32
        %parallel_loop3A_100 = vector.broadcast %parallel_loop3A_99 : i32 to vector<16xi32>
        %parallel_loop3A_101 = arith.shrsi %parallel_loop3A_88, %parallel_loop3A_100 : vector<16xi32>
        %parallel_loop3A_102 = arith.constant dense<-1> : vector<16xi32>
        %parallel_loop3A_103 = arith.xori %parallel_loop3A_101, %parallel_loop3A_102 : vector<16xi32>
        %parallel_loop3A_104 = arith.shrui %parallel_loop3A_98, %parallel_loop3A_97 : vector<16xi32>
        %parallel_loop3A_105 = arith.constant 1 : i32
        %parallel_loop3A_106 = vector.broadcast %parallel_loop3A_105 : i32 to vector<16xi32>
        %parallel_loop3A_107 = arith.andi %parallel_loop3A_104, %parallel_loop3A_106 : vector<16xi32>
        %parallel_loop3A_108 = arith.andi %parallel_loop3A_107, %parallel_loop3A_103 : vector<16xi32>
        %parallel_loop3A_109 = arith.index_cast %rem3A_48 : i32 to index
        %parallel_loop3A_110 = arith.index_cast %parallel_loop3A_85 : i32 to index
        %parallel_loop3A_111 = tpu.vector_load %arg7[%parallel_loop3A_109, %parallel_loop3A_110] {strides = array<i32>} : memref<2x8192xi32, #tpu.memory_space<vmem>>, vector<16xi32>,
        tpu.vector_store %arg7[%parallel_loop3A_109, %parallel_loop3A_110], %parallel_loop3A_108 {strides = array<i32>} : memref<2x8192xi32, #tpu.memory_space<vmem>>, vector<16xi32>,
      } {sc.loop_unroll_factor = 16 : i64, sc.parallel_access}
      %mul3A_72 = arith.constant 8192 : i32
      %mul3A_73 = arith.muli %scan3A_47, %mul3A_72 : i32
      %add3A_74 = arith.addi %mul3A_2, %mul3A_73 : i32
      %dma_start3A_75 = arith.constant 0 : i32
      %dma_start3A_76 = tpu.memref_slice %arg7[%rem3A_48, %dma_start3A_75] : memref<2x8192xi32, #tpu.memory_space<vmem>> -> memref<1x8192xi32, #tpu.memory_space<vmem>>
      %dma_start3A_77 = tpu.memref_squeeze %dma_start3A_76 : memref<1x8192xi32, #tpu.memory_space<vmem>> -> memref<8192xi32, #tpu.memory_space<vmem>>
      %dma_start3A_78 = tpu.memref_slice %arg4[%add3A_74] : memref<2097152xi32, #tpu.memory_space<hbm>> -> memref<8192xi32, #tpu.memory_space<hbm>>
      %dma_start3A_79 = tpu.memref_slice %arg9[%rem3A_48] : memref<2x!tpu.dma_semaphore, #tpu.memory_space<semaphore_mem>> -> memref<1x!tpu.dma_semaphore, #tpu.memory_space<semaphore_mem>>
      %dma_start3A_80 = tpu.memref_squeeze %dma_start3A_79 : memref<1x!tpu.dma_semaphore, #tpu.memory_space<semaphore_mem>> -> memref<!tpu.dma_semaphore, #tpu.memory_space<semaphore_mem>>
      %dma_start3A_81 = tpu.memref_slice %arg4[%add3A_74] : memref<2097152xi32, #tpu.memory_space<hbm>> -> memref<8192xi32, #tpu.memory_space<hbm>>
      %dma_start3A_82 = arith.constant 0 : i32
      %dma_start3A_83 = tpu.memref_slice %arg7[%rem3A_48, %dma_start3A_82] : memref<2x8192xi32, #tpu.memory_space<vmem>> -> memref<1x8192xi32, #tpu.memory_space<vmem>>
      %dma_start3A_84 = tpu.memref_squeeze %dma_start3A_83 : memref<1x8192xi32, #tpu.memory_space<vmem>> -> memref<8192xi32, #tpu.memory_space<vmem>>
      tpu.enqueue_dma source(%dma_start3A_84 : memref<8192xi32, #tpu.memory_space<vmem>>) target(%dma_start3A_81 : memref<8192xi32, #tpu.memory_space<hbm>>) target_semaphore(%dma_start3A_80 : memref<!tpu.dma_semaphore, #tpu.memory_space<semaphore_mem>>)
    }
    %scan3A_19 = arith.constant 8 : i32
    %add3A_20 = arith.constant 49152 : i32
    %add3A_21 = arith.addi %mul3A_2, %add3A_20 : i32
    %dma_wait3A = arith.constant 0 : i32
    %dma_wait3A_22 = arith.constant 0 : i32
    %dma_wait3A_23 = arith.constant 0 : i32
    %dma_wait3A_24 = tpu.memref_slice %arg7[%dma_wait3A, %dma_wait3A_23] : memref<2x8192xi32, #tpu.memory_space<vmem>> -> memref<1x8192xi32, #tpu.memory_space<vmem>>
    %dma_wait3A_25 = tpu.memref_squeeze %dma_wait3A_24 : memref<1x8192xi32, #tpu.memory_space<vmem>> -> memref<8192xi32, #tpu.memory_space<vmem>>
    %dma_wait3A_26 = tpu.memref_slice %arg4[%add3A_21] : memref<2097152xi32, #tpu.memory_space<hbm>> -> memref<8192xi32, #tpu.memory_space<hbm>>
    %dma_wait3A_27 = tpu.memref_slice %arg9[%dma_wait3A_22] : memref<2x!tpu.dma_semaphore, #tpu.memory_space<semaphore_mem>> -> memref<1x!tpu.dma_semaphore, #tpu.memory_space<semaphore_mem>>
    %dma_wait3A_28 = tpu.memref_squeeze %dma_wait3A_27 : memref<1x!tpu.dma_semaphore, #tpu.memory_space<semaphore_mem>> -> memref<!tpu.dma_semaphore, #tpu.memory_space<semaphore_mem>>
    %dma_wait3A_29 = tpu.memref_slice %arg4[%add3A_21] : memref<2097152xi32, #tpu.memory_space<hbm>> -> memref<8192xi32, #tpu.memory_space<hbm>>
    %dma_wait3A_30 = arith.constant 0 : i32
    %dma_wait3A_31 = tpu.memref_slice %arg7[%dma_wait3A, %dma_wait3A_30] : memref<2x8192xi32, #tpu.memory_space<vmem>> -> memref<1x8192xi32, #tpu.memory_space<vmem>>
    %dma_wait3A_32 = tpu.memref_squeeze %dma_wait3A_31 : memref<1x8192xi32, #tpu.memory_space<vmem>> -> memref<8192xi32, #tpu.memory_space<vmem>>
    tpu.wait_dma2 semaphore(%dma_wait3A_28 : memref<!tpu.dma_semaphore, #tpu.memory_space<semaphore_mem>>) src(%dma_wait3A_32 : memref<8192xi32, #tpu.memory_space<vmem>>) dst(%dma_wait3A_29 : memref<8192xi32, #tpu.memory_space<hbm>>)
    %add3A_33 = arith.constant 57344 : i32
    %add3A_34 = arith.addi %mul3A_2, %add3A_33 : i32
    %dma_wait3A_35 = arith.constant 1 : i32
    %dma_wait3A_36 = arith.constant 1 : i32
    %dma_wait3A_37 = arith.constant 0 : i32
    %dma_wait3A_38 = tpu.memref_slice %arg7[%dma_wait3A_35, %dma_wait3A_37] : memref<2x8192xi32, #tpu.memory_space<vmem>> -> memref<1x8192xi32, #tpu.memory_space<vmem>>
    %dma_wait3A_39 = tpu.memref_squeeze %dma_wait3A_38 : memref<1x8192xi32, #tpu.memory_space<vmem>> -> memref<8192xi32, #tpu.memory_space<vmem>>
    %dma_wait3A_40 = tpu.memref_slice %arg4[%add3A_34] : memref<2097152xi32, #tpu.memory_space<hbm>> -> memref<8192xi32, #tpu.memory_space<hbm>>
    %dma_wait3A_41 = tpu.memref_slice %arg9[%dma_wait3A_36] : memref<2x!tpu.dma_semaphore, #tpu.memory_space<semaphore_mem>> -> memref<1x!tpu.dma_semaphore, #tpu.memory_space<semaphore_mem>>
    %dma_wait3A_42 = tpu.memref_squeeze %dma_wait3A_41 : memref<1x!tpu.dma_semaphore, #tpu.memory_space<semaphore_mem>> -> memref<!tpu.dma_semaphore, #tpu.memory_space<semaphore_mem>>
    %dma_wait3A_43 = tpu.memref_slice %arg4[%add3A_34] : memref<2097152xi32, #tpu.memory_space<hbm>> -> memref<8192xi32, #tpu.memory_space<hbm>>
    %dma_wait3A_44 = arith.constant 0 : i32
    %dma_wait3A_45 = tpu.memref_slice %arg7[%dma_wait3A_35, %dma_wait3A_44] : memref<2x8192xi32, #tpu.memory_space<vmem>> -> memref<1x8192xi32, #tpu.memory_space<vmem>>
    %dma_wait3A_46 = tpu.memref_squeeze %dma_wait3A_45 : memref<1x8192xi32, #tpu.memory_space<vmem>> -> memref<8192xi32, #tpu.memory_space<vmem>>
    tpu.wait_dma2 semaphore(%dma_wait3A_42 : memref<!tpu.dma_semaphore, #tpu.memory_space<semaphore_mem>>) src(%dma_wait3A_46 : memref<8192xi32, #tpu.memory_space<vmem>>) dst(%dma_wait3A_43 : memref<8192xi32, #tpu.memory_space<hbm>>)
    return
  }
}

module attributes {stable_mosaic.version = 14 : i64} {
  func.func @_pack_body(%arg0: i32, %arg1: memref<32x128x128xf32, #tpu.memory_space<vmem>>, %arg2: memref<4x128x128xi32, #tpu.memory_space<vmem>>) attributes {dimension_semantics = [#tpu.dimension_semantics<arbitrary>], iteration_bounds = array<i64: 4>, scalar_prefetch = 0 : i64, scratch_operands = 0 : i64, tpu.core_type = #tpu.core_type<tc>, window_params = [{transform_indices = @transform_0, window_bounds = array<i64: 32, 128, 128>}, {pipeline_mode = #tpu.pipeline_mode<synchronous>, transform_indices = @transform_1, window_bounds = array<i64: 4, 128, 128>}]} {
    %get3A = arith.constant 0 : index
    %get3A_0 = arith.constant 0 : index
    %get3A_1 = arith.constant 0 : index
    %get3A_2 = vector.load %arg1[%get3A, %get3A_0, %get3A_1] : memref<32x128x128xf32, #tpu.memory_space<vmem>>, vector<32x128x128xf32>
    %gt3A = arith.constant 0.00999999977 : f32
    %gt3A_3 = vector.broadcast %gt3A : f32 to vector<32x128x128xf32>
    %gt3A_4 = arith.cmpf ogt, %get3A_2, %gt3A_3 : vector<32x128x128xf32>
    %convert_element_type3A = arith.extui %gt3A_4 : vector<32x128x128xi1> to vector<32x128x128xi32>
    %reshape3A = vector.shape_cast %convert_element_type3A : vector<32x128x128xi32> to vector<8x4x128x128xi32>
    %iota3A = tpu.iota {dimensions = array<i32: 0>} : vector<8x4x128x128xi32>
    %mul3A = arith.constant 8 : i32
    %mul3A_5 = arith.muli %mul3A, %arg0 : i32
    %add3A = vector.broadcast %mul3A_5 : i32 to vector<8x4x128x128xi32>
    %add3A_6 = arith.addi %iota3A, %add3A : vector<8x4x128x128xi32>
    %shift_left3A = arith.shli %reshape3A, %add3A_6 : vector<8x4x128x128xi32>
    %reduce_sum3A = arith.constant dense<0> : vector<4x128x128xi32>
    %reduce_sum3A_7 = vector.multi_reduction <add>, %shift_left3A, %reduce_sum3A [0] : vector<8x4x128x128xi32> to vector<4x128x128xi32>
    %eq3A = arith.constant 0 : i32
    %eq3A_8 = arith.cmpi eq, %arg0, %eq3A : i32
    %convert_element_type3A_9 = arith.extui %eq3A_8 : i1 to i32
    %cond3A = arith.constant 0 : i32
    %cond3A_10 = arith.cmpi ne, %convert_element_type3A_9, %cond3A : i32
    scf.if %cond3A_10 {
      %swap3A = arith.constant 0 : index
      %swap3A_16 = arith.constant 0 : index
      %swap3A_17 = arith.constant 0 : index
      %swap3A_18 = vector.load %arg2[%swap3A, %swap3A_16, %swap3A_17] : memref<4x128x128xi32, #tpu.memory_space<vmem>>, vector<4x128x128xi32>
      tpu.vector_store %arg2[%swap3A, %swap3A_16, %swap3A_17], %reduce_sum3A_7 {strides = array<i32>} : memref<4x128x128xi32, #tpu.memory_space<vmem>>, vector<4x128x128xi32>,
    } else {
    }
    %gt3A_11 = arith.constant 0 : i32
    %gt3A_12 = arith.cmpi sgt, %arg0, %gt3A_11 : i32
    %convert_element_type3A_13 = arith.extui %gt3A_12 : i1 to i32
    %cond3A_14 = arith.constant 0 : i32
    %cond3A_15 = arith.cmpi ne, %convert_element_type3A_13, %cond3A_14 : i32
    scf.if %cond3A_15 {
      %get3A_16 = arith.constant 0 : index
      %get3A_17 = arith.constant 0 : index
      %get3A_18 = arith.constant 0 : index
      %get3A_19 = vector.load %arg2[%get3A_16, %get3A_17, %get3A_18] : memref<4x128x128xi32, #tpu.memory_space<vmem>>, vector<4x128x128xi32>
      %or3A = arith.ori %get3A_19, %reduce_sum3A_7 : vector<4x128x128xi32>
      %swap3A = arith.constant 0 : index
      %swap3A_20 = arith.constant 0 : index
      %swap3A_21 = arith.constant 0 : index
      %swap3A_22 = vector.load %arg2[%swap3A, %swap3A_20, %swap3A_21] : memref<4x128x128xi32, #tpu.memory_space<vmem>>, vector<4x128x128xi32>
      tpu.vector_store %arg2[%swap3A, %swap3A_20, %swap3A_21], %or3A {strides = array<i32>} : memref<4x128x128xi32, #tpu.memory_space<vmem>>, vector<4x128x128xi32>,
    } else {
    }
    return
  }
  func.func @transform_0(%arg0: i32) -> (i32, i32, i32) {
    %c0_i32 = arith.constant 0 : i32
    %c0_i32_0 = arith.constant 0 : i32
    %c0_i32_1 = arith.constant 0 : i32
    return %arg0, %c0_i32, %c0_i32_0 : i32, i32, i32
  }
  func.func @transform_1(%arg0: i32) -> (i32, i32, i32) {
    %c0_i32 = arith.constant 0 : i32
    %c0_i32_0 = arith.constant 0 : i32
    %c0_i32_1 = arith.constant 0 : i32
    %c0_i32_2 = arith.constant 0 : i32
    return %c0_i32, %c0_i32_0, %c0_i32_1 : i32, i32, i32
  }
}

module attributes {stable_mosaic.version = 14 : i64} {
  func.func @_encode_body(%arg0: i32, %arg1: memref<2048x128xf32, #tpu.memory_space<vmem>>, %arg2: memref<2048x128xf32, #tpu.memory_space<vmem>>, %arg3: memref<2048x128xf32, #tpu.memory_space<vmem>>, %arg4: memref<2048x128xi32, #tpu.memory_space<vmem>>) attributes {dimension_semantics = [#tpu.dimension_semantics<arbitrary>], iteration_bounds = array<i64: 8>, scalar_prefetch = 0 : i64, scratch_operands = 0 : i64, tpu.core_type = #tpu.core_type<tc>, window_params = [{transform_indices = @transform_0, window_bounds = array<i64: 2048, 128>}, {transform_indices = @transform_1, window_bounds = array<i64: 2048, 128>}, {transform_indices = @transform_2, window_bounds = array<i64: 2048, 128>}, {transform_indices = @transform_3, window_bounds = array<i64: 2048, 128>}]} {
    %get3A = arith.constant 0 : index
    %get3A_0 = arith.constant 0 : index
    %get3A_1 = vector.load %arg1[%get3A, %get3A_0] : memref<2048x128xf32, #tpu.memory_space<vmem>>, vector<2048x128xf32>
    %get3A_2 = arith.constant 0 : index
    %get3A_3 = arith.constant 0 : index
    %get3A_4 = vector.load %arg2[%get3A_2, %get3A_3] : memref<2048x128xf32, #tpu.memory_space<vmem>>, vector<2048x128xf32>
    %get3A_5 = arith.constant 0 : index
    %get3A_6 = arith.constant 0 : index
    %get3A_7 = vector.load %arg3[%get3A_5, %get3A_6] : memref<2048x128xf32, #tpu.memory_space<vmem>>, vector<2048x128xf32>
    %add3A = arith.constant 1.000000e+00 : f32
    %add3A_8 = vector.broadcast %add3A : f32 to vector<2048x128xf32>
    %add3A_9 = arith.addf %get3A_1, %add3A_8 : vector<2048x128xf32>
    %mul3A = arith.constant 6.400000e+01 : f32
    %mul3A_10 = vector.broadcast %mul3A : f32 to vector<2048x128xf32>
    %mul3A_11 = arith.mulf %add3A_9, %mul3A_10 : vector<2048x128xf32>
    %sub3A = arith.constant 5.000000e-01 : f32
    %sub3A_12 = vector.broadcast %sub3A : f32 to vector<2048x128xf32>
    %sub3A_13 = arith.subf %mul3A_11, %sub3A_12 : vector<2048x128xf32>
    %add3A_14 = arith.constant 1.000000e+00 : f32
    %add3A_15 = vector.broadcast %add3A_14 : f32 to vector<2048x128xf32>
    %add3A_16 = arith.addf %get3A_4, %add3A_15 : vector<2048x128xf32>
    %mul3A_17 = arith.constant 6.400000e+01 : f32
    %mul3A_18 = vector.broadcast %mul3A_17 : f32 to vector<2048x128xf32>
    %mul3A_19 = arith.mulf %add3A_16, %mul3A_18 : vector<2048x128xf32>
    %sub3A_20 = arith.constant 5.000000e-01 : f32
    %sub3A_21 = vector.broadcast %sub3A_20 : f32 to vector<2048x128xf32>
    %sub3A_22 = arith.subf %mul3A_19, %sub3A_21 : vector<2048x128xf32>
    %add3A_23 = arith.constant 1.000000e+00 : f32
    %add3A_24 = vector.broadcast %add3A_23 : f32 to vector<2048x128xf32>
    %add3A_25 = arith.addf %get3A_7, %add3A_24 : vector<2048x128xf32>
    %mul3A_26 = arith.constant 6.400000e+01 : f32
    %mul3A_27 = vector.broadcast %mul3A_26 : f32 to vector<2048x128xf32>
    %mul3A_28 = arith.mulf %add3A_25, %mul3A_27 : vector<2048x128xf32>
    %sub3A_29 = arith.constant 5.000000e-01 : f32
    %sub3A_30 = vector.broadcast %sub3A_29 : f32 to vector<2048x128xf32>
    %sub3A_31 = arith.subf %mul3A_28, %sub3A_30 : vector<2048x128xf32>
    %min3A = arith.minimumf %get3A_1, %get3A_4 : vector<2048x128xf32>
    %min3A_32 = arith.minimumf %min3A, %get3A_7 : vector<2048x128xf32>
    %max3A = arith.maximumf %get3A_1, %get3A_4 : vector<2048x128xf32>
    %max3A_33 = arith.maximumf %max3A, %get3A_7 : vector<2048x128xf32>
    %ge3A = arith.constant -1.000000e+00 : f32
    %ge3A_34 = vector.broadcast %ge3A : f32 to vector<2048x128xf32>
    %ge3A_35 = arith.cmpf oge, %min3A_32, %ge3A_34 : vector<2048x128xf32>
    %le3A = arith.constant 1.000000e+00 : f32
    %le3A_36 = vector.broadcast %le3A : f32 to vector<2048x128xf32>
    %le3A_37 = arith.cmpf ole, %max3A_33, %le3A_36 : vector<2048x128xf32>
    %and3A = arith.andi %ge3A_35, %le3A_37 : vector<2048x128xi1>
    %round3A = math.roundeven %sub3A_13 : vector<2048x128xf32>
    %jit3A = arith.constant 0.000000e+00 : f32
    %jit3A_38 = arith.constant 1.270000e+02 : f32
    %max3A_39 = vector.broadcast %jit3A : f32 to vector<2048x128xf32>
    %max3A_40 = arith.maximumf %max3A_39, %round3A : vector<2048x128xf32>
    %min3A_41 = vector.broadcast %jit3A_38 : f32 to vector<2048x128xf32>
    %min3A_42 = arith.minimumf %min3A_41, %max3A_40 : vector<2048x128xf32>
    %convert_element_type3A = arith.fptosi %min3A_42 : vector<2048x128xf32> to vector<2048x128xi32>
    %round3A_43 = math.roundeven %sub3A_22 : vector<2048x128xf32>
    %jit3A_44 = arith.constant 0.000000e+00 : f32
    %jit3A_45 = arith.constant 1.270000e+02 : f32
    %max3A_46 = vector.broadcast %jit3A_44 : f32 to vector<2048x128xf32>
    %max3A_47 = arith.maximumf %max3A_46, %round3A_43 : vector<2048x128xf32>
    %min3A_48 = vector.broadcast %jit3A_45 : f32 to vector<2048x128xf32>
    %min3A_49 = arith.minimumf %min3A_48, %max3A_47 : vector<2048x128xf32>
    %convert_element_type3A_50 = arith.fptosi %min3A_49 : vector<2048x128xf32> to vector<2048x128xi32>
    %round3A_51 = math.roundeven %sub3A_31 : vector<2048x128xf32>
    %jit3A_52 = arith.constant 0.000000e+00 : f32
    %jit3A_53 = arith.constant 1.270000e+02 : f32
    %max3A_54 = vector.broadcast %jit3A_52 : f32 to vector<2048x128xf32>
    %max3A_55 = arith.maximumf %max3A_54, %round3A_51 : vector<2048x128xf32>
    %min3A_56 = vector.broadcast %jit3A_53 : f32 to vector<2048x128xf32>
    %min3A_57 = arith.minimumf %min3A_56, %max3A_55 : vector<2048x128xf32>
    %convert_element_type3A_58 = arith.fptosi %min3A_57 : vector<2048x128xf32> to vector<2048x128xi32>
    %shift_left3A = arith.constant 7 : i32
    %shift_left3A_59 = vector.broadcast %shift_left3A : i32 to vector<2048x128xi32>
    %shift_left3A_60 = arith.shli %convert_element_type3A_58, %shift_left3A_59 : vector<2048x128xi32>
    %or3A = arith.ori %shift_left3A_60, %convert_element_type3A_50 : vector<2048x128xi32>
    %shift_left3A_61 = arith.constant 7 : i32
    %shift_left3A_62 = vector.broadcast %shift_left3A_61 : i32 to vector<2048x128xi32>
    %shift_left3A_63 = arith.shli %or3A, %shift_left3A_62 : vector<2048x128xi32>
    %or3A_64 = arith.ori %shift_left3A_63, %convert_element_type3A : vector<2048x128xi32>
    %or3A_65 = arith.constant -2147483648 : i32
    %or3A_66 = vector.broadcast %or3A_65 : i32 to vector<2048x128xi32>
    %or3A_67 = arith.ori %or3A_64, %or3A_66 : vector<2048x128xi32>
    %select_n3A = arith.select %and3A, %or3A_64, %or3A_67 : vector<2048x128xi1>, vector<2048x128xi32>
    %swap3A = arith.constant 0 : index
    %swap3A_68 = arith.constant 0 : index
    %swap3A_69 = vector.load %arg4[%swap3A, %swap3A_68] : memref<2048x128xi32, #tpu.memory_space<vmem>>, vector<2048x128xi32>
    tpu.vector_store %arg4[%swap3A, %swap3A_68], %select_n3A {strides = array<i32>} : memref<2048x128xi32, #tpu.memory_space<vmem>>, vector<2048x128xi32>,
    return
  }
  func.func @transform_0(%arg0: i32) -> (i32, i32) {
    %c0_i32 = arith.constant 0 : i32
    %c0_i32_0 = arith.constant 0 : i32
    return %arg0, %c0_i32 : i32, i32
  }
  func.func @transform_1(%arg0: i32) -> (i32, i32) {
    %c0_i32 = arith.constant 0 : i32
    %c0_i32_0 = arith.constant 0 : i32
    return %arg0, %c0_i32 : i32, i32
  }
  func.func @transform_2(%arg0: i32) -> (i32, i32) {
    %c0_i32 = arith.constant 0 : i32
    %c0_i32_0 = arith.constant 0 : i32
    return %arg0, %c0_i32 : i32, i32
  }
  func.func @transform_3(%arg0: i32) -> (i32, i32) {
    %c0_i32 = arith.constant 0 : i32
    %c0_i32_0 = arith.constant 0 : i32
    return %arg0, %c0_i32 : i32, i32
  }
}

</mosaic_0001>

<sc_bundles>
// kernel: kernel.5.cloned.1.call-start
scs
__scs_entry_jumppad:
0x0: {  	(pc) =	sbr.rel $0x88, $3  }
0x1: {  	(tag) =	ssettag $0x0;
	lr =	simm.s32 $0x1  }
0x2: {  	[smem:$0x3F9F] =	sst lr;
	_ =	strace $0xD0000000  }
0x3: {  	_ = 	snop  }
0x4: {  	_ = 	snop  }
0x5: {  	_ = 	snop  }
0x6: {  	_ = 	snop  }
0x7: {  	_ = 	snop  }
__scs_overlays_trampoline_lowered:
0x8: {  	[smem:$0x3FAE] =	sst s0  }
0x9: {  	[smem:$0x3FAF] =	sst s1  }
0xa: {  	[smem:$0x3FB0] =	sst s2  }
0xb: {  	[smem:$0x3FB1] =	sst s3  }
0xc: {  	[smem:$0x3FB2] =	sst s4  }
0xd: {  	[smem:$0x3FB3] =	sst s5  }
0xe: {  	[smem:$0x3FB4] =	sst s6  }
0xf: {  	[smem:$0x3FB5] =	sst s7  }
0x10: {  	[smem:$0x3FB6] =	sst s8  }
0x11: {  	[smem:$0x3FB7] =	sst s9;
	s0 =	simm.s32 @!p0 $0x0  }
0x12: {  	s1 =	sld [smem:$0x3F9D];
	s0 =	simm.s32 @p0 $0x1  }
0x13: {  	[smem:$0x3FB8] =	sst s0;
	s0 =	simm.s32 @!p1 $0x0  }
0x14: {  	s2 =	sld [smem:$0x3F9C];
	s0 =	simm.s32 @p1 $0x1  }
0x15: {  	[smem:$0x3FB9] =	sst s0;
	s0 =	simm.s32 @!p2 $0x0  }
0x16: {  	s3 =	sld [smem:$0x3FDB];
	s0 =	simm.s32 @p2 $0x1  }
0x17: {  	s4 =	simm.s32 $0x1BF5;
	[smem:$0x3FBB] =	sst s0  }
0x18: {  	s0 =	sld [smem:$0x3F9E];
	_ =	swait.ge [sflag:s4], $0x0  }
0x19: {  	s7 =	sld [smem:$0x3F9F]  }
0x1a: {  	s8 =	sadd.s32 $0xFFFFE003, lr  }
0x1b: {  	s9 =	sadd.s32 $0xFFFFFEF7, lr;
	s5 =	simm.s32 $0xFFFFFFFF;
	p2 =	slt.u32 s8, $0xFFFFF086  }
0x1c: {  	p1 =	slt.u32 s9, $0xF7A;
	s5 =	simm.s32 @!p2 $0x0  }
0x1d: {  	s5 =	simm.s32 @p1 $0x1;
	p0 =	seq.s32 s7, s2  }
0x1e: {  	s7 =	smul.u32 @!p0 $0xF7A, s2;
	p2 =	seq.s32 @!p0 s5, $0x0  }
0x1f: {  	s9 =	smul.u32 $0xF7A, s1;
	s8 =	simm.s32 @!p0 $0x1BF5;
	p2 =	por !p2, p0  }
0x20: {  	[sflag:s8] =	ssyncset.s32 @!p0 $0xFFFFF086;
	s6 =	sadd.s32 @!p0 s3, s7;
	s7 =	simm.s32 @!p0 $0x108  }
0x21: {  	s3 =	sadd.s32 s3, s9;
	s6 =	sadd.s32 @!p0 $0x88, s6;
	s7 =	simm.s32 @p2 $0x1082  }
0x22: {  	[simem:s7], [sflag:s8] =	dma.local @!p0 [hbm:s6], $0xF7A  }
0x23: {  	s9 =	sor.u32 $0xD0000000, s2;
	s6 =	simm.s32 $0x108;
	_ =	swait.ge @!p0 [sflag:s8], $0x0  }
0x24: {  	s3 =	sadd.s32 $0x88, s3;
	s6 =	simm.s32 @!p1 $0x1082;
	[sflag:s4] =	ssyncset.s32 $0xFFFFF086  }
0x25: {  	[simem:s6], [sflag:s4] =	dma.local [hbm:s3], $0xF7A  }
0x26: {  	[smem:$0x3F9F] =	sst s1;
	(tag) =	ssettag s2;
	_ =	strace s9  }
0x27: {  	s1 =	sld [smem:$0x3FAF]  }
0x28: {  	s2 =	sld [smem:$0x3FB0]  }
0x29: {  	s4 =	sld [smem:$0x3FB2]  }
0x2a: {  	p0 =	seq.s32 s5, $0x0;
	s5 =	sld [smem:$0x3FB3]  }
0x2b: {  	s6 =	sld [smem:$0x3FB4]  }
0x2c: {  	s7 =	sld [smem:$0x3FB5]  }
0x2d: {  	s3 =	simm.s32 $0x108;
	s8 =	sld [smem:$0x3FB6]  }
0x2e: {  	s3 =	simm.s32 @!p0 $0x1082;
	s9 =	sld [smem:$0x3FB7]  }
0x2f: {  	lr =	sadd.s32 s0, s3;
	s0 =	sld [smem:$0x3FAE]  }
0x30: {  	s3 =	sld [smem:$0x3FB1]  }
0x31: {  	[smem:$0x3FBA] =	sst s10  }
0x32: {  	s10 =	sld [smem:$0x3FB8];
	_ =	sdelay $0x3  }
0x33: {  	p0 =	seq.s32 s10, $0x1;
	s10 =	sld [smem:$0x3FBA];
	_ =	sdelay $0x3  }
0x34: {  	[smem:$0x3FBA] =	sst s10  }
0x35: {  	s10 =	sld [smem:$0x3FB9];
	_ =	sdelay $0x3  }
0x36: {  	p1 =	seq.s32 s10, $0x1;
	s10 =	sld [smem:$0x3FBA];
	_ =	sdelay $0x3  }
0x37: {  	[smem:$0x3FBA] =	sst s10  }
0x38: {  	s10 =	sld [smem:$0x3FBB]  }
0x39: {  	_ = 	snop;
	(pc) =	sbr.ind lr, $3  }
0x3a: {  	_ = 	snop  }
0x3b: {  	_ = 	snop  }
0x3c: {  	p2 =	seq.s32 s10, $0x1;
	s10 =	sld [smem:$0x3FBA]  }
0x3d: {  	_ =	shalt  }
0x3e: {  	_ =	shalt  }
0x3f: {  	_ =	shalt  }
0x40: {  	_ =	shalt  }
0x41: {  	_ =	shalt  }
0x42: {  	_ =	shalt  }
0x43: {  	_ =	shalt  }
0x44: {  	_ =	shalt  }
0x45: {  	_ =	shalt  }
0x46: {  	_ =	shalt  }
0x47: {  	_ =	shalt  }
0x48: {  	_ =	shalt  }
0x49: {  	_ =	shalt  }
0x4a: {  	_ =	shalt  }
0x4b: {  	_ =	shalt  }
0x4c: {  	_ =	shalt  }
0x4d: {  	_ =	shalt  }
0x4e: {  	_ =	shalt  }
0x4f: {  	_ =	shalt  }
0x50: {  	_ =	shalt  }
0x51: {  	_ =	shalt  }
0x52: {  	_ =	shalt  }
0x53: {  	_ =	shalt  }
0x54: {  	_ =	shalt  }
0x55: {  	_ =	shalt  }
0x56: {  	_ =	shalt  }
0x57: {  	_ =	shalt  }
0x58: {  	_ =	shalt  }
0x59: {  	_ =	shalt  }
0x5a: {  	_ =	shalt  }
0x5b: {  	_ =	shalt  }
0x5c: {  	_ =	shalt  }
0x5d: {  	_ =	shalt  }
0x5e: {  	_ =	shalt  }
0x5f: {  	_ =	shalt  }
0x60: {  	_ =	shalt  }
0x61: {  	_ =	shalt  }
0x62: {  	_ =	shalt  }
0x63: {  	_ =	shalt  }
0x64: {  	_ =	shalt  }
0x65: {  	_ =	shalt  }
0x66: {  	_ =	shalt  }
0x67: {  	_ =	shalt  }
0x68: {  	_ =	shalt  }
0x69: {  	_ =	shalt  }
0x6a: {  	_ =	shalt  }
0x6b: {  	_ =	shalt  }
0x6c: {  	_ =	shalt  }
0x6d: {  	_ =	shalt  }
0x6e: {  	_ =	shalt  }
0x6f: {  	_ =	shalt  }
0x70: {  	_ =	shalt  }
0x71: {  	_ =	shalt  }
0x72: {  	_ =	shalt  }
0x73: {  	_ =	shalt  }
0x74: {  	_ =	shalt  }
0x75: {  	_ =	shalt  }
0x76: {  	_ =	shalt  }
0x77: {  	_ =	shalt  }
0x78: {  	_ =	shalt  }
0x79: {  	_ =	shalt  }
0x7a: {  	_ =	shalt  }
0x7b: {  	_ =	shalt  }
0x7c: {  	_ =	shalt  }
0x7d: {  	_ =	shalt  }
0x7e: {  	_ =	shalt  }
0x7f: {  	_ =	shalt  }
0x80: {  	_ =	shalt  }
0x81: {  	_ =	shalt  }
0x82: {  	_ =	shalt  }
0x83: {  	_ =	shalt  }
0x84: {  	_ =	shalt  }
0x85: {  	_ =	shalt  }
0x86: {  	_ =	shalt  }
0x87: {  	_ =	shalt  }
.Lfunc_end0:
.L_simem_size_0:
called_computation_lowered:
.L_overlay_start_0:
0x88: {  	s2 =	sld [smem:$0x3FD9]  }
0x89: {  	s3 =	sld [smem:$0x3FFE];
	_ =	sdelay $0x1  }
0x8a: {  	s1 =	srdreg.scid  }
0x8b: {  	s0 =	sand.u32 $0x1, s1  }
0x8c: {  	s17 =	sshll.u32 s0, $0xA;
	s2 =	sadd.s32 s3, s2  }
0x8d: {  	s2 =	sadd.s32 s2, s17  }
0x8e: {  	[smem:$0x3FC6] =	sst s2  }
0x8f: {  	_ = 	snop  }
0x90: {  	s2 =	sld [smem:$0x3FD0];
	(tm) =	ssettm $0x1  }
0x91: {  	s18 =	sld [smem:$0x3FFB];
	_ =	sdelay $0x3  }
0x92: {  	_ =	strace s18  }
0x93: {  	s3 =	sld [smem:$0x3FFC];
	_ =	sdelay $0x3  }
0x94: {  	_ =	strace s3  }
0x95: {  	s3 =	sld [smem:$0x3FFD];
	_ =	sdelay $0x3  }
0x96: {  	_ =	strace s3  }
0x97: {  	_ =	strace $0x8FFFFFFF  }
0x98: {  	s19 =	sld [smem:$0x3FDB];
	_ =	sdelay $0x1  }
0x99: {  	s4 =	simm.s32 $_scs_section_size  }
0x9a: {  	s5 =	simm.s32 $_size__tile_overlayer_lowered;
	s6 =	simm.s32 $_tile_overlayer_lowered  }
0x9b: {  	s22 =	simm.s32 $0x1BFF;
	s21 =	sshll.u32 s6, $0x1;
	s3 =	sadd.s32 s4, s19  }
0x9c: {  	s7 =	simm.s32 $0x0;
	s20 =	sshll.u32 s5, $0x1;
	s5 =	sadd.s32 s21, s3  }
0x9d: {  	[timem:s7], [sflag:s22] =	dma.local [hbm:s5], s20  }
0x9e: {  	_ =	swait.ge [sflag:s22], s20  }
0x9f: {  	s4 =	ssub.s32 $0x0, s20;
	[sflag:s22] =	ssyncset.done $0x0  }
0xa0: {  	[sflag:s22] =	ssyncadd.s32 s4;
	_ =	sdelay $0x1  }
0xa1: {  	s23 =	simm.s32 $0x1B8B  }
0xa2: {  	_ =	swait.ge [sflag:s23], $0x1  }
0xa3: {  	[sflag:s23] =	ssyncset.done $0x0  }
0xa4: {  	s25 =	simm.s32 $0x1B8E;
	s24 =	sld [smem:$0x3FFE];
	[sflag:s23] =	ssyncadd.s32 $0xFFFFFFFF  }
0xa5: {  	s26 =	simm.s32 $execute0_lowered;
	[smem:$0x3FD2] =	sst s25  }
0xa6: {  	s5 =	sshll.u32 s26, $0x1;
	_ =	strace $0x80000046;
	[dreg:$0x1] =	wrdreg $0xFFFFFFFF  }
0xa7: {  	s28 =	simm.s32 $_size_execute0_lowered;
	s3 =	sadd.s32 s3, s5;
	[dreg:$0x0] =	wrdreg $0x0  }
0xa8: {  	s5 =	sshll.u32 s28, $0x1;
	[dreg:$0x2] =	wrdreg s3  }
0xa9: {  	[dreg:$0x3] =	wrdreg s5  }
0xaa: {  	[dreg:$0x4] =	wrdreg $0xC0  }
0xab: {  	_ =	task [dreg:s7], $0x5FFFF  }
0xac: {  	[dreg:$0x1] =	wrdreg $0xFFFFFFFF  }
0xad: {  	[dreg:$0x0] =	wrdreg $0x60  }
0xae: {  	[dreg:$0x2] =	wrdreg s24  }
0xaf: {  	[dreg:$0x3] =	wrdreg s2  }
0xb0: {  	[dreg:$0x4] =	wrdreg $0x9  }
0xb1: {  	_ =	task.clear_ibuf [dreg:s7], $0x5FFFF;
	_ =	strace $0x90000046  }
0xb2: {  	s29 =	simm.s32 $0x9;
	_ =	strace $0x80000048  }
0xb3: {  	_ =	swait.ge [sflag:s29], $0x1  }
0xb4: {  	[sflag:s29] =	ssyncadd.s32 $0xFFFFFFFF  }
0xb5: {  	_ =	strace $0x90000048  }
0xb6: {  	_ =	sfence  }
0xb7: {  	s30 =	sld [smem:$0x0];
	_ =	sdelay $0x2  }
0xb8: {  	s31 =	sshll.u32 s1, $0xD;
	s1 =	sshrl.u32 s1, $0x2  }
0xb9: {  	s3 =	sand.u32 $0x4000, s31;
	s1 =	sadd.s32 s1, s30  }
0xba: {  	s0 =	sor.u32 s3, s0;
	s1 =	sshll.u32 s1, $0x11  }
0xbb: {  	s0 =	sor.u32 s1, s0  }
0xbc: {  	s0 =	sadd.s32 $0x8F2B, s0  }
0xbd: {  	[sflag:s0] =	ssyncadd.remote.s32 $0x1  }
0xbe: {  	_ =	sfence.sel $0xFFFF  }
0xbf: {  	[dreg:$0x0] =	wrdreg $0xFFFFFFFF;
	(pc) =	sbr.abs _section_cstart, $3  }
0xc0: {  	[dreg:$0x1] =	wrdreg $0xFFFFFFFF  }
0xc1: {  	_ =	task.clear_ibuf [dreg:s7], $0x2FFFF;
	_ =	strace $0x9FFFFFFF  }
0xc2: {  	(tm) =	ssettm $0x7FFFFFFF  }
0xc3: {  	_ =	shalt  }
tec
execute0_lowered:
.L_overlay_start_1:
0x0: {  	(tag) =	ssettag $0x1  }
0x1: {  	s6 =	rddreg [dreg:$0x0]  }
0x2: {  	s1 =	rddreg [dreg:$0x1]  }
0x3: {  	s0 =	rddreg [dreg:$0x2]  }
0x4: {  	s3 =	simm.s32 $0x0;
	s4 =	srdreg.scid;
	s2 =	stileid.u32  }
0x5: {  	s10 =	simm.s32 $0x3;
	s11 =	simm.s32 $0x4;
	s12 =	simm.s32 $0x0  }
0x6: {  	[smem:$0x7FF] =	sst s3;
	s4 =	sand.u32 $0x1, s4;
	s5 =	sshll.u32 s2, $0x11  }
0x7: {  	_ =	strace $0x80000047;
	s7 =	ssub.s32 $0x2, s4;
	s8 =	sshll.u32 s4, $0x10  }
0x8: {  	s4 =	sadd.s32 $0xC00, s6;
	s9 =	sshrl.u32 s7, $0x1;
	s5 =	sor.u32 s8, s5  }
0x9: {  	s6 =	sadd.s32 $0x40C00, s6;
	s30 =	ssub.s32 s7, s9;
	s31 =	sshrl.u32 s5, $0x3  }
0xa: {  	s9 =	simm.s32 $0x5;
	s7 =	sadd.s32 s4, s31;
	s8 =	smax.u32 s30, $0x1  }
.LBB2_1:
0xb: {  	s13 =	simm.s32 $0x10000  }
0xc: {  	s14 =	simm.s32 $0x10;
	s16 =	sadd.s32 $0x0, s7;
	s15 =	simm.s32 $0x10100  }
.LBB2_2:
0xd: {  	[tilespmem:s13], [sflag:$0x1] =	stream.linear.gather [hbm4b:s16+s3], $0x80, $0x38;
	[tilespmem:$0x18000] =	vst v63  }
0xe: {  	s16 =	smov.u32 s14;
	s13 =	smov.u32 s15;
	p0 =	sne.s32 s14, $0x3F0  }
.Ltmp0:
0xf: {  	s14 =	sadd.s32 $0x10, s14;
	(pc) =	sbr.rel @p0 .LBB2_2-.Ltmp0, $2  }
0x10: {  	_ =	sdelay $0x2  }
0x11: {  	s15 =	sadd.s32 $0x100, s15;
	s16 =	sadd.s32 s16, s7  }
0x12: {  	[tilespmem:s13], [sflag:$0x1] =	stream.linear.gather [hbm4b:s16+s3], $0x80, $0x38;
	[tilespmem:$0x18000] =	vst v63  }
0x13: {  	s17 =	simm.s32 $0x0  }
0x14: {  	[tilespmem:s17], [sflag:$0x5] =	stream.linear.gather [hbm4b:s1+s17], $0x10000, $0x38;
	[tilespmem:$0x18000] =	vst v63  }
0x15: {  	_ =	swait.ge [sflag:s9], $0x10000  }
0x16: {  	[sflag:s9] =	ssyncset.done $0x0  }
0x17: {  	p0 =	por $0x1, $0x1;
	p1 =	por $0x0, $0x0;
	[sflag:s9] =	ssyncadd.s32 $0xFFFF0000  }
.LBB2_5:
0x18: {  	p2 =	seq.s32 s17, $0x7  }
.Ltmp1:
0x19: {  	_ = 	snop;
	(pc) =	sbr.rel @p2 .LBB2_9-.Ltmp1, $2  }
0x1a: {  	_ =	sdelay $0x2  }
0x1b: {  	s14 =	sand.u32 $0x1, s17;
	s13 =	sadd.s32 $0x1, s17  }
0x1c: {  	s15 =	simm.s32 $0x1;
	s16 =	sshll.u32 s13, $0xD  }
0x1d: {  	s15 =	simm.s32 @!p0 $0x0;
	s16 =	sadd.s32 s5, s16  }
0x1e: {  	s18 =	sxor.u32 $0x1, s14;
	s15 =	sshll.u32 s15, $0x7;
	s19 =	sshrl.u32 s16, $0x3  }
0x1f: {  	s16 =	sor.u32 $0x10000, s15;
	s15 =	sadd.s32 $0x1, s18;
	s18 =	sadd.s32 s4, s19  }
0x20: {  	s19 =	simm.s32 $0x10;
	s21 =	sadd.s32 $0x0, s18;
	s20 =	sadd.s32 $0x100, s16  }
.LBB2_7:
0x21: {  	[tilespmem:s16], [sflag:s15] =	stream.linear.gather [hbm4b:s21+s3], $0x80, $0x38;
	[tilespmem:$0x18000] =	vst v63  }
0x22: {  	s21 =	smov.u32 s19;
	s16 =	smov.u32 s20;
	p2 =	sne.s32 s19, $0x3F0  }
.Ltmp2:
0x23: {  	s19 =	sadd.s32 $0x10, s19;
	(pc) =	sbr.rel @p2 .LBB2_7-.Ltmp2, $2  }
0x24: {  	_ =	sdelay $0x2  }
0x25: {  	s20 =	sadd.s32 $0x100, s20;
	s21 =	sadd.s32 s21, s18  }
0x26: {  	[tilespmem:s16], [sflag:s15] =	stream.linear.gather [hbm4b:s21+s3], $0x80, $0x38;
	[tilespmem:$0x18000] =	vst v63  }
.LBB2_9:
0x27: {  	s15 =	sadd.s32 $0x1, s14  }
0x28: {  	_ =	swait.ge [sflag:s15], $0x2000  }
0x29: {  	p2 =	slt.u32 s17, $0x2;
	[sflag:s15] =	ssyncset.done $0x0  }
0x2a: {  	s16 =	simm.s32 $0x1;
	[sflag:s15] =	ssyncadd.s32 $0xFFFFE000;
	s15 =	sadd.s32 @!p2 $0x3, s14  }
0x2b: {  	s16 =	simm.s32 @!p1 $0x0;
	_ =	swait.ge @!p2 [sflag:s15], $0x2000  }
0x2c: {  	s16 =	sshll.u32 s16, $0x7;
	[sflag:s15] =	ssyncset.done @!p2 $0x0  }
0x2d: {  	s19 =	sor.u32 $0x10100, s16;
	[sflag:s15] =	ssyncadd.s32 @!p2 $0xFFFFE000  }
0x2e: {  	v0 =	vld [tilespmem:s19+$0x70]  }
0x2f: {  	v1 =	vld [tilespmem:s19+$0xFFFFFF10]  }
0x30: {  	v2 =	vld [tilespmem:s19+$0xFFFFFF20]  }
0x31: {  	v3 =	vld [tilespmem:s19+$0xFFFFFF30]  }
0x32: {  	v4 =	vld [tilespmem:s19+$0xFFFFFF40]  }
0x33: {  	v5 =	vld [tilespmem:s19+$0xFFFFFF50]  }
0x34: {  	v7 =	vld [tilespmem:s19+$0xFFFFFF60]  }
0x35: {  	v10 =	vld [tilespmem:s19+$0xFFFFFF70]  }
0x36: {  	v12 =	vld [tilespmem:s19+$0x0]  }
0x37: {  	v15 =	vld [tilespmem:s19+$0x10]  }
0x38: {  	v20 =	vld [tilespmem:s19+$0x20];
	v6 =	vand.u32 $0xFFFF, v0  }
0x39: {  	v23 =	vld [tilespmem:s19+$0x30];
	v8 =	vshrl.u32 v1, $0x10;
	v9 =	vand.u32 $0xFFFF, v1;
	vm0 =	vlt.s32 v1, $0x0  }
0x3a: {  	v26 =	vld [tilespmem:s19+$0x40];
	v11 =	vand.u32 $0xFFFF, v2;
	v13 =	vshrl.u32 v3, $0x10;
	v14 =	vand.u32 $0xFFFF, v3  }
0x3b: {  	v29 =	vld [tilespmem:s19+$0x50];
	v16 =	vshrl.u32 v4, $0x10;
	v17 =	vand.u32 $0xFFFF, v4;
	v18 =	vshrl.u32 v5, $0x10  }
0x3c: {  	v33 =	vld [tilespmem:s19+$0x60];
	v19 =	vand.u32 $0xFFFF, v5;
	v21 =	vshrl.u32 v7, $0x10;
	v22 =	vand.u32 $0xFFFF, v7  }
0x3d: {  	v34 =	vld [tilespmem:s19+$0xFFFFFF00];
	v24 =	vshrl.u32 v10, $0x10;
	v25 =	vand.u32 $0xFFFF, v10;
	v27 =	vshrl.u32 v12, $0x10  }
0x3e: {  	v28 =	vand.u32 $0xFFFF, v12;
	v30 =	vshrl.u32 v15, $0x10;
	v31 =	vand.u32 $0xFFFF, v15  }
0x3f: {  	v32 =	vshrl.u32 v0, $0x10;
	v35 =	vshrl.u32 v20, $0x10;
	v36 =	vand.u32 $0xFFFF, v20  }
0x40: {  	v60 =	vand.u32 $0xFFFF, v23;
	vm1 =	vlt.s32 v0, $0x0;
	v0 =	vshrl.u32 v23, $0x10  }
0x41: {  	v37 =	vand.u32 $0xFFFF, v26;
	v39 =	vshrl.u32 v29, $0x10;
	v40 =	vand.u32 $0xFFFF, v29  }
0x42: {  	v41 =	vshrl.u32 v33, $0x10;
	v42 =	vand.u32 $0xFFFF, v33;
	v43 =	vshrl.u32 v34, $0x10;
	v6 =	vld.idx.msk [tilespmem:v6+s3+$0x0], $0xffff  }
0x43: {  	vm14 =	vlt.s32 v34, $0x0;
	vm2 =	vlt.s32 v3, $0x0;
	vm3 =	vlt.s32 v4, $0x0  }
0x44: {  	vm4 =	vlt.s32 v5, $0x0;
	vm5 =	vlt.s32 v7, $0x0;
	vm6 =	vlt.s32 v10, $0x0;
	v9 =	vld.idx.msk [tilespmem:v9+s3+$0x0], $0xffff  }
0x45: {  	vm7 =	vlt.s32 v12, $0x0;
	vm8 =	vlt.s32 v15, $0x0;
	vm9 =	vlt.s32 v20, $0x0;
	v14 =	vld.idx.msk [tilespmem:v14+s3+$0x0], $0xffff  }
0x46: {  	vm10 =	vlt.s32 v23, $0x0;
	vm11 =	vlt.s32 v26, $0x0;
	v32 =	vand.u32 $0x1F, v32;
	v17 =	vld.idx.msk [tilespmem:v17+s3+$0x0], $0xffff  }
0x47: {  	vm12 =	vlt.s32 v29, $0x0;
	vm13 =	vlt.s32 v33, $0x0;
	v19 =	vld.idx.msk [tilespmem:v19+s3+$0x0], $0xffff;
	v6 =	vshrl.u32 v6, v32  }
0x48: {  	v1 =	vand.u32 $0x1F, v8;
	v8 =	vshrl.u32 v2, $0x10;
	v22 =	vld.idx.msk [tilespmem:v22+s3+$0x0], $0xffff;
	v6 =	vand.u32 $0x1, v6  }
0x49: {  	v13 =	vand.u32 $0x1F, v13;
	v16 =	vand.u32 $0x1F, v16;
	v38 =	vsel vm1, $0x0, v6;
	v6 =	vld.idx.msk [tilespmem:v11+s3+$0x0], $0xffff  }
0x4a: {  	v18 =	vand.u32 $0x1F, v18;
	v21 =	vand.u32 $0x1F, v21;
	v24 =	vand.u32 $0x1F, v24;
	v25 =	vld.idx.msk [tilespmem:v25+s3+$0x0], $0xffff  }
0x4b: {  	v27 =	vand.u32 $0x1F, v27;
	v62 =	vld.idx.msk [tilespmem:v60+s3+$0x0], $0xffff;
	v1 =	vshrl.u32 v9, v1;
	v9 =	vand.u32 $0xFFFF, v34  }
0x4c: {  	v30 =	vand.u32 $0x1F, v30;
	v35 =	vand.u32 $0x1F, v35;
	v44 =	vand.u32 $0x1F, v0;
	v12 =	vld.idx.msk [tilespmem:v40+s3+$0x0], $0xffff  }
0x4d: {  	v8 =	vand.u32 $0x1F, v8;
	vm1 =	vlt.s32 v2, $0x0;
	v2 =	vshrl.u32 v14, v13;
	v13 =	vld.idx.msk [tilespmem:v31+s3+$0x0], $0xffff  }
0x4e: {  	v43 =	vand.u32 $0x1F, v43;
	v0 =	vand.u32 $0x1, v1;
	v1 =	vshrl.u32 v6, v8;
	v8 =	vld.idx.msk [tilespmem:v28+s3+$0x0], $0xffff  }
0x4f: {  	v39 =	vand.u32 $0x1F, v39;
	v61 =	vand.u32 $0x1F, v41;
	v63 =	vld.idx.msk [tilespmem:v37+s3+$0x0], $0xffff;
	v3 =	vshrl.u32 v17, v16  }
0x50: {  	v4 =	vshrl.u32 v19, v18;
	v5 =	vshrl.u32 v22, v21;
	v10 =	vshrl.u32 v62, v44;
	v9 =	vld.idx.msk [tilespmem:v9+s3+$0x0], $0xffff  }
0x51: {  	v12 =	vshrl.u32 v12, v39;
	v3 =	vand.u32 $0x1, v3;
	v4 =	vand.u32 $0x1, v4;
	v14 =	vld.idx.msk [tilespmem:v36+s3+$0x0], $0xffff  }
0x52: {  	v5 =	vand.u32 $0x1, v5;
	v10 =	vand.u32 $0x1, v10;
	v11 =	vshrl.u32 v26, $0x10  }
0x53: {  	v11 =	vand.u32 $0x1F, v11;
	v7 =	vshrl.u32 v8, v27;
	v8 =	vshrl.u32 v13, v30;
	v13 =	vld.idx.msk [tilespmem:v42+s3+$0x0], $0xffff  }
0x54: {  	v12 =	vand.u32 $0x1, v12;
	v2 =	vand.u32 $0x1, v2;
	v11 =	vshrl.u32 v63, v11  }
0x55: {  	v11 =	vand.u32 $0x1, v11;
	v6 =	vshrl.u32 v25, v24;
	v9 =	vshrl.u32 v9, v43  }
0x56: {  	v1 =	vand.u32 $0x1, v1;
	v15 =	vand.u32 $0x1, v9;
	v9 =	vshrl.u32 v14, v35  }
0x57: {  	s31 =	sshll.u32 s17, $0xD;
	s15 =	sor.u32 $0x14000, s16;
	s16 =	sor.u32 $0x14100, s16;
	v6 =	vand.u32 $0x1, v6;
	v9 =	vand.u32 $0x1, v9;
	v14 =	vsel vm14, $0x0, v15  }
0x58: {  	s18 =	simm.s32 $0x0;
	s17 =	sadd.s32 s5, s31;
	s19 =	sadd.s32 $0x200, s19;
	[tilespmem:s16+$0x70] =	vst v38;
	v7 =	vand.u32 $0x1, v7;
	v8 =	vand.u32 $0x1, v8;
	v13 =	vshrl.u32 v13, v61  }
.LBB2_10:
0x59: {  	v15 =	vld [tilespmem:s19+$0x70];
	s18 =	sadd.s32 $0x100, s18;
	[tilespmem:s16+$0xFFFFFF00] =	vst v14;
	v0 =	vsel vm0, $0x0, v0;
	v1 =	vsel vm1, $0x0, v1;
	v13 =	vand.u32 $0x1, v13  }
0x5a: {  	v14 =	vld [tilespmem:s19+$0xFFFFFF10];
	p2 =	slt.u32 s18, $0x1F00;
	[tilespmem:s16+$0xFFFFFF10] =	vst v0;
	v0 =	vsel vm2, $0x0, v2;
	v2 =	vsel vm3, $0x0, v3;
	v3 =	vsel vm4, $0x0, v4  }
0x5b: {  	v4 =	vld [tilespmem:s19+$0xFFFFFF20];
	[tilespmem:s16+$0xFFFFFF20] =	vst v1;
	v1 =	vsel vm5, $0x0, v5;
	v5 =	vsel vm6, $0x0, v6;
	v6 =	vsel vm7, $0x0, v7  }
0x5c: {  	v7 =	vld [tilespmem:s19+$0xFFFFFF30];
	[tilespmem:s16+$0xFFFFFF30] =	vst v0;
	v0 =	vsel vm8, $0x0, v8;
	v8 =	vsel vm9, $0x0, v9;
	v9 =	vsel vm10, $0x0, v10  }
0x5d: {  	v10 =	vld [tilespmem:s19+$0xFFFFFF40];
	[tilespmem:s16+$0xFFFFFF40] =	vst v2;
	v2 =	vsel vm11, $0x0, v11;
	v11 =	vsel vm12, $0x0, v12;
	v12 =	vsel vm13, $0x0, v13  }
0x5e: {  	v13 =	vld [tilespmem:s19+$0xFFFFFF50];
	v16 =	vand.u32 $0xFFFF, v15;
	[tilespmem:s16+$0xFFFFFF50] =	vst v3  }
0x5f: {  	v3 =	vshrl.u32 v14, $0x10;
	v17 =	vand.u32 $0xFFFF, v14;
	vm0 =	vlt.s32 v14, $0x0;
	v14 =	vld [tilespmem:s19+$0xFFFFFF60];
	[tilespmem:s16+$0xFFFFFF60] =	vst v1  }
0x60: {  	v1 =	vand.u32 $0x1F, v3;
	v3 =	vshrl.u32 v4, $0x10;
	v18 =	vand.u32 $0xFFFF, v4;
	v19 =	vld [tilespmem:s19+$0xFFFFFF70];
	[tilespmem:s16+$0xFFFFFF70] =	vst v5  }
0x61: {  	v3 =	vand.u32 $0x1F, v3;
	v5 =	vshrl.u32 v7, $0x10;
	v20 =	vand.u32 $0xFFFF, v7;
	v21 =	vld [tilespmem:s19+$0x0];
	[tilespmem:s16+$0x0] =	vst v6  }
0x62: {  	v5 =	vand.u32 $0x1F, v5;
	v6 =	vshrl.u32 v10, $0x10;
	v22 =	vand.u32 $0xFFFF, v10;
	v23 =	vld [tilespmem:s19+$0x10];
	[tilespmem:s16+$0x10] =	vst v0  }
0x63: {  	v6 =	vand.u32 $0x1F, v6;
	v0 =	vshrl.u32 v13, $0x10;
	v24 =	vand.u32 $0xFFFF, v13;
	v16 =	vld.idx.msk [tilespmem:v16+s3+$0x0], $0xffff;
	[tilespmem:s16+$0x20] =	vst v8  }
0x64: {  	v8 =	vand.u32 $0x1F, v0;
	v0 =	vshrl.u32 v14, $0x10;
	v25 =	vand.u32 $0xFFFF, v14;
	v26 =	vld [tilespmem:s19+$0x20];
	[tilespmem:s16+$0x30] =	vst v9  }
0x65: {  	v9 =	vand.u32 $0x1F, v0;
	v0 =	vshrl.u32 v19, $0x10;
	v27 =	vand.u32 $0xFFFF, v19;
	v28 =	vld [tilespmem:s19+$0x30];
	[tilespmem:s16+$0x40] =	vst v2  }
0x66: {  	v29 =	vand.u32 $0x1F, v0;
	v0 =	vshrl.u32 v21, $0x10;
	v2 =	vand.u32 $0xFFFF, v21;
	v30 =	vld [tilespmem:s19+$0x40];
	[tilespmem:s16+$0x50] =	vst v11  }
0x67: {  	v33 =	vshrl.u32 v15, $0x10;
	v11 =	vshrl.u32 v23, $0x10;
	v31 =	vand.u32 $0xFFFF, v23;
	v32 =	vld [tilespmem:s19+$0x50];
	[tilespmem:s16+$0x60] =	vst v12  }
0x68: {  	v12 =	vand.u32 $0x1F, v0;
	v0 =	vand.u32 $0x1F, v33;
	v11 =	vand.u32 $0x1F, v11;
	v34 =	vld [tilespmem:s19+$0x60]  }
0x69: {  	v0 =	vshrl.u32 v16, v0;
	v33 =	vld [tilespmem:s19+$0xFFFFFF00];
	v35 =	vshrl.u32 v26, $0x10;
	v36 =	vand.u32 $0xFFFF, v26  }
0x6a: {  	vm1 =	vlt.s32 v15, $0x0;
	v0 =	vand.u32 $0x1, v0;
	v16 =	vld.idx.msk [tilespmem:v17+s3+$0x0], $0xffff;
	v17 =	vand.u32 $0xFFFF, v28  }
0x6b: {  	s16 =	sadd.s32 $0x200, s16;
	v0 =	vsel vm1, $0x0, v0;
	v15 =	vld.idx.msk [tilespmem:v18+s3+$0x0], $0xffff;
	v18 =	vshrl.u32 v28, $0x10;
	v37 =	vand.u32 $0xFFFF, v30  }
0x6c: {  	v38 =	vshrl.u32 v30, $0x10;
	v20 =	vld.idx.msk [tilespmem:v20+s3+$0x0], $0xffff;
	v39 =	vshrl.u32 v32, $0x10;
	v40 =	vand.u32 $0xFFFF, v32;
	[tilespmem:s16+$0x70] =	vst v0  }
0x6d: {  	v35 =	vand.u32 $0x1F, v35;
	v22 =	vld.idx.msk [tilespmem:v22+s3+$0x0], $0xffff;
	v0 =	vshrl.u32 v34, $0x10;
	v41 =	vand.u32 $0xFFFF, v34  }
0x6e: {  	v18 =	vand.u32 $0x1F, v18;
	v42 =	vshrl.u32 v33, $0x10;
	v43 =	vand.u32 $0xFFFF, v33;
	v24 =	vld.idx.msk [tilespmem:v24+s3+$0x0], $0xffff  }
0x6f: {  	v38 =	vand.u32 $0x1F, v38;
	v39 =	vand.u32 $0x1F, v39;
	v42 =	vand.u32 $0x1F, v42;
	v25 =	vld.idx.msk [tilespmem:v25+s3+$0x0], $0xffff  }
0x70: {  	vm14 =	vlt.s32 v33, $0x0;
	v1 =	vshrl.u32 v16, v1;
	v16 =	vld.idx.msk [tilespmem:v27+s3+$0x0], $0xffff;
	v27 =	vand.u32 $0x1F, v0  }
0x71: {  	vm1 =	vlt.s32 v4, $0x0;
	v0 =	vand.u32 $0x1, v1;
	v1 =	vshrl.u32 v15, v3;
	v15 =	vld.idx.msk [tilespmem:v2+s3+$0x0], $0xffff  }
0x72: {  	vm2 =	vlt.s32 v7, $0x0;
	v1 =	vand.u32 $0x1, v1;
	v2 =	vshrl.u32 v20, v5;
	v20 =	vld.idx.msk [tilespmem:v31+s3+$0x0], $0xffff  }
0x73: {  	vm3 =	vlt.s32 v10, $0x0;
	v2 =	vand.u32 $0x1, v2;
	v3 =	vshrl.u32 v22, v6;
	v31 =	vld.idx.msk [tilespmem:v43+s3+$0x0], $0xffff  }
0x74: {  	vm4 =	vlt.s32 v13, $0x0;
	v3 =	vand.u32 $0x1, v3;
	v4 =	vshrl.u32 v24, v8;
	v10 =	vld.idx.msk [tilespmem:v36+s3+$0x0], $0xffff  }
0x75: {  	vm5 =	vlt.s32 v14, $0x0;
	v4 =	vand.u32 $0x1, v4;
	v5 =	vshrl.u32 v25, v9;
	v13 =	vld.idx.msk [tilespmem:v17+s3+$0x0], $0xffff  }
0x76: {  	vm6 =	vlt.s32 v19, $0x0;
	v5 =	vand.u32 $0x1, v5;
	v6 =	vshrl.u32 v16, v29;
	v14 =	vld.idx.msk [tilespmem:v37+s3+$0x0], $0xffff  }
0x77: {  	vm7 =	vlt.s32 v21, $0x0;
	v6 =	vand.u32 $0x1, v6;
	v7 =	vshrl.u32 v15, v12;
	v12 =	vld.idx.msk [tilespmem:v40+s3+$0x0], $0xffff  }
0x78: {  	vm8 =	vlt.s32 v23, $0x0;
	v7 =	vand.u32 $0x1, v7;
	v8 =	vshrl.u32 v20, v11;
	v15 =	vld.idx.msk [tilespmem:v41+s3+$0x0], $0xffff  }
0x79: {  	vm9 =	vlt.s32 v26, $0x0;
	v9 =	vshrl.u32 v31, v42;
	v8 =	vand.u32 $0x1, v8  }
.Ltmp3:
0x7a: {  	vm10 =	vlt.s32 v28, $0x0;
	v16 =	vand.u32 $0x1, v9;
	v9 =	vshrl.u32 v10, v35;
	(pc) =	sbr.rel @p2 .LBB2_10-.Ltmp3, $4  }
0x7b: {  	vm11 =	vlt.s32 v30, $0x0;
	v9 =	vand.u32 $0x1, v9;
	v10 =	vshrl.u32 v13, v18  }
0x7c: {  	vm12 =	vlt.s32 v32, $0x0;
	v10 =	vand.u32 $0x1, v10;
	v11 =	vshrl.u32 v14, v38  }
0x7d: {  	vm13 =	vlt.s32 v34, $0x0;
	v11 =	vand.u32 $0x1, v11;
	v12 =	vshrl.u32 v12, v39  }
0x7e: {  	s19 =	sadd.s32 $0x200, s19;
	v14 =	vsel vm14, $0x0, v16;
	v12 =	vand.u32 $0x1, v12;
	v13 =	vshrl.u32 v15, v27  }
0x7f: {  	[tilespmem:s16+$0xFFFFFF00] =	vst v14;
	v0 =	vsel vm0, $0x0, v0  }
0x80: {  	v1 =	vsel vm1, $0x0, v1;
	[tilespmem:s16+$0xFFFFFF10] =	vst v0  }
0x81: {  	v52 =	vsel vm2, $0x0, v2;
	[tilespmem:s16+$0xFFFFFF20] =	vst v1  }
0x82: {  	v53 =	vsel vm3, $0x0, v3;
	[tilespmem:s16+$0xFFFFFF30] =	vst v52  }
0x83: {  	v54 =	vsel vm4, $0x0, v4;
	[tilespmem:s16+$0xFFFFFF40] =	vst v53  }
0x84: {  	v55 =	vsel vm5, $0x0, v5;
	[tilespmem:s16+$0xFFFFFF50] =	vst v54  }
0x85: {  	v56 =	vsel vm6, $0x0, v6;
	[tilespmem:s16+$0xFFFFFF60] =	vst v55  }
0x86: {  	v57 =	vsel vm7, $0x0, v7;
	[tilespmem:s16+$0xFFFFFF70] =	vst v56  }
0x87: {  	v58 =	vsel vm8, $0x0, v8;
	[tilespmem:s16+$0x0] =	vst v57  }
0x88: {  	v59 =	vsel vm9, $0x0, v9;
	[tilespmem:s16+$0x10] =	vst v58  }
0x89: {  	v60 =	vsel vm10, $0x0, v10;
	[tilespmem:s16+$0x20] =	vst v59  }
0x8a: {  	v61 =	vsel vm11, $0x0, v11;
	[tilespmem:s16+$0x30] =	vst v60  }
0x8b: {  	v62 =	vand.u32 $0x1, v13;
	v63 =	vsel vm12, $0x0, v12;
	s17 =	sshrl.u32 s17, $0x3;
	[tilespmem:s16+$0x40] =	vst v61  }
0x8c: {  	s14 =	sadd.s32 $0x3, s14;
	v0 =	vsel vm13, $0x0, v62;
	[tilespmem:s16+$0x50] =	vst v63;
	s17 =	sadd.s32 s6, s17  }
0x8d: {  	s18 =	sadd.s32 $0x100, s15;
	[tilespmem:s16+$0x60] =	vst v0;
	s16 =	simm.s32 $0x10;
	s19 =	sadd.s32 $0x0, s17  }
.LBB2_12:
0x8e: {  	[hbm4b:s19+s3] =	stream.linear.scatter [tilespmem:s15], [sflag:s14], $0x80, $0x38;
	[tilespmem:$0x18000] =	vst v63  }
0x8f: {  	s19 =	smov.u32 s16;
	s15 =	smov.u32 s18;
	p2 =	seq.s32 s16, $0x3F0  }
.Ltmp4:
0x90: {  	s16 =	sadd.s32 $0x10, s16;
	(pc) =	sbr.rel @!p2 .LBB2_12-.Ltmp4, $2  }
0x91: {  	_ =	sdelay $0x2  }
0x92: {  	s18 =	sadd.s32 $0x100, s18;
	s19 =	sadd.s32 s19, s17  }
0x93: {  	[hbm4b:s19+s3] =	stream.linear.scatter [tilespmem:s15], [sflag:s14], $0x80, $0x38;
	[tilespmem:$0x18000] =	vst v63  }
0x94: {  	p2 =	seq.s32 s13, $0x8  }
.Ltmp5:
0x95: {  	_ = 	snop;
	(pc) =	sbr.rel @!p2 .LBB2_5-.Ltmp5, $2  }
0x96: {  	_ =	sdelay $0x2  }
0x97: {  	p0 =	por !p0, !p0;
	p1 =	por !p1, !p1;
	s17 =	smov.u32 s13  }
0x98: {  	s12 =	sadd.s32 $0x1, s12  }
0x99: {  	_ =	swait.ge [sflag:s10], $0x2000;
	p0 =	sne.s32 s12, s8  }
.Ltmp6:
0x9a: {  	[sflag:s10] =	ssyncset.done $0x0;
	(pc) =	sbr.rel @p0 .LBB2_1-.Ltmp6, $4  }
0x9b: {  	[sflag:s10] =	ssyncadd.s32 $0xFFFFE000  }
0x9c: {  	_ =	swait.ge [sflag:s11], $0x2000  }
0x9d: {  	[sflag:s11] =	ssyncset.done $0x0  }
0x9e: {  	[sflag:s11] =	ssyncadd.s32 $0xFFFFE000  }
0x9f: {  	_ =	sfence.sel $0x180000  }
0xa0: {  	[bflag:$0x0] =	sbarrier.arrive $0xFFFF  }
0xa1: {  	p0 =	sne.s32 s2, $0x0;
	_ =	strace $0x90000047  }
0xa2: {  	s0 =	sadd.s32 @!p0 $0x100000, s0;
	[bflag:$0x2] =	sbarrier.arrive $0xFFFF  }
0xa3: {  	[sflag:s0] =	ssyncadd.tile.s32 @!p0 $0x1;
	_ =	shalt  }
.Lfunc_end2:
_tile_overlayer_lowered:
.L_overlay_start_2:
0xa4: {  	(tag) =	ssettag $0x2  }
0xa5: {  	s0 =	rddreg [dreg:$0x0];
	s2 =	stileid.u32  }
0xa6: {  	s1 =	rddreg [dreg:$0x1];
	p0 =	sne.s32 s2, $0x0  }
0xa7: {  	s3 =	rddreg [dreg:$0x2];
	[bflag:$0x3] =	sbarrier.arrive $0xFFFF;
	s2 =	simm.s32 @!p0 $0x1C05  }
0xa8: {  	[timem:s3], [sflag:s2] =	dma.local @!p0 [hbm:s0], s1  }
0xa9: {  	s0 =	simm.s32 @!p0 $0x5  }
0xaa: {  	_ =	swait.ge @!p0 [sflag:s0], s1  }
0xab: {  	s1 =	ssub.s32 @!p0 $0x0, s1;
	[sflag:s0] =	ssyncset.done @!p0 $0x0  }
0xac: {  	[sflag:s0] =	ssyncadd.s32 @!p0 s1  }
0xad: {  	[bflag:$0x3] =	sbarrier.arrive $0xFFFF  }
0xae: {  	_ =	shalt  }

</sc_bundles>
